<compile_context>
chip_gen: v7x
topology: tpu7x:2x2x1
jax: 0.10.2.dev20260603
libtpu: 0.0.44.dev20260713+nightly
codegen_flags: <defaults>
</compile_context>

<pallas_src>
import functools
import math

import jax
import jax.numpy as jnp
import numpy as np
from jax import lax
from jax.experimental import pallas as pl
from jax.experimental.pallas import tpu as pltpu
from jax.experimental.pallas import tpu_sc as plsc

H, W = 512, 1024
FP = 64
NC, NS = 2, 16
NW = NC * NS


def _row_kernel_tables(h):
    thetas = np.linspace(0.5, h - 0.5, num=h) * math.pi / h
    weight = 1.0 / np.sin(thetas)
    residual = weight % 2
    mask = residual >= 1
    residual[mask] -= 1
    residual[~mask] += 1
    n_ones = (weight - residual).astype(np.int32)
    edge_values = ((weight - n_ones) / 2.0).astype(np.float32)
    lengths = (n_ones + 2).astype(np.int32)
    return lengths, edge_values


_L_np, _E_np = _row_kernel_tables(H)


def _index_kernel(yg_ref, idx_ref):
    nb = yg_ref.shape[0]
    f = yg_ref.shape[2]
    ys = jnp.rint(yg_ref[:, 1, :] * (H - 1)).astype(jnp.int32)
    ys_pad = jnp.concatenate(
        [ys, jnp.zeros((nb, FP - f), dtype=jnp.int32)], axis=1)
    lane = lax.broadcasted_iota(jnp.int32, (nb, FP), 1)
    base = lax.broadcasted_iota(jnp.int32, (nb, FP), 0) * H
    idx_ref[:, :] = base + jnp.where(lane < f, ys_pad, 0)


def _sc_gather_kernel(ypf_hbm, idx_hbm, out_hbm, idx_v, rows_v, sem):
    wid = lax.axis_index("s") * NC + lax.axis_index("c")
    rows = rows_v.shape[0]
    base = wid * rows
    pltpu.sync_copy(idx_hbm.at[pl.ds(base, rows)], idx_v)
    pltpu.async_copy(ypf_hbm.at[idx_v], rows_v, sem).wait()
    pltpu.sync_copy(rows_v, out_hbm.at[pl.ds(base, rows)])


def _weights_dot_kernel(yg_ref, lt_ref, et_ref, g_ref, eps_ref, out_ref):
    b = pl.program_id(0)
    nb = pl.num_programs(0)
    f = yg_ref.shape[2]
    hp = jnp.float32

    xs_row = jnp.rint(yg_ref[0, 0:1, :] * (W - 1))
    ys_row = jnp.rint(yg_ref[0, 1:2, :] * (H - 1))

    jj = lax.broadcasted_iota(jnp.int32, (f, f), 0)
    kk = lax.broadcasted_iota(jnp.int32, (f, f), 1)
    ident = (jj == kk).astype(hp)
    xs_col = jnp.sum(ident * xs_row, axis=1, keepdims=True)
    ys_col = jnp.sum(ident * ys_row, axis=1, keepdims=True)
    xs_ci = xs_col.astype(jnp.int32)
    ys_ci = ys_col.astype(jnp.int32)

    iota_h_col = lax.broadcasted_iota(jnp.int32, (f, H), 1)
    e_sel = (ys_ci == iota_h_col).astype(hp)
    len_col = jnp.sum(e_sel * lt_ref[:, :], axis=1, keepdims=True)
    edge_col = jnp.sum(e_sel * et_ref[:, :], axis=1, keepdims=True)
    len_ci = len_col.astype(jnp.int32)

    pole = (ys_ci == 0) | (ys_ci == H - 1)
    len_ci = jnp.where(pole, W, len_ci)
    edge_col = jnp.where(pole, 1.0, edge_col)

    left = jnp.where(pole, 0, xs_ci - len_ci // 2)
    pw = lax.broadcasted_iota(jnp.int32, (f, W), 1)
    d = lax.rem(pw - left + 2 * W, W)
    cov = (d < len_ci).astype(hp)
    vals = jnp.where((d == 0) | (d == len_ci - 1), edge_col, 1.0)

    later_same = ((kk > jj) & (ys_ci == ys_row)).astype(jnp.bfloat16)
    later_cov = lax.dot_general(
        later_same, cov.astype(jnp.bfloat16), (((1,), (0,)), ((), ())),
        preferred_element_type=hp)
    weights = cov * (later_cov < 0.5).astype(hp) * vals

    s = jnp.sum(weights * g_ref[0, 0:f, :], dtype=hp)

    @pl.when(b == 0)
    def _():
        out_ref[:, :] = jnp.zeros_like(out_ref)

    out_ref[:, :] += jnp.reshape(s, (1, 1))

    @pl.when(b == nb - 1)
    def _():
        fc = jnp.full((1, 1), float(f), dtype=hp)
        eps_v = eps_ref[:, :]
        nf = jnp.where(fc < eps_v, eps_v, fc)
        out_ref[:, :] = out_ref[:, :] / (nf * float(nb))


def kernel(y_pred, y_gt, eps=1e-05):
    b, _, h, w = y_pred.shape
    f = y_gt.shape[1]
    yg = jnp.transpose(y_gt, (0, 2, 1))
    lt = jnp.asarray(_L_np, dtype=jnp.float32).reshape(1, h)
    et = jnp.asarray(_E_np, dtype=jnp.float32).reshape(1, h)
    eps_a = jnp.asarray(eps, dtype=jnp.float32).reshape(1, 1)

    idx = pl.pallas_call(
        _index_kernel,
        in_specs=[pl.BlockSpec((b, 2, f), lambda: (0, 0, 0))],
        out_specs=pl.BlockSpec((b, FP), lambda: (0, 0)),
        out_shape=jax.ShapeDtypeStruct((b, FP), jnp.int32),
    )(yg)

    ypf = y_pred.reshape(b * h, w)
    idxf = idx.reshape(b * FP)
    rows_per_w = (b * FP) // NW

    mesh = plsc.VectorSubcoreMesh(
        core_axis_name="c", subcore_axis_name="s",
        num_cores=NC, num_subcores=NS)
    sc_fn = pl.kernel(
        _sc_gather_kernel,
        out_type=jax.ShapeDtypeStruct((b * FP, w), jnp.float32),
        mesh=mesh,
        scratch_types=[
            pltpu.VMEM((rows_per_w,), jnp.int32),
            pltpu.VMEM((rows_per_w, w), jnp.float32),
            pltpu.SemaphoreType.DMA,
        ],
    )
    g = sc_fn(ypf, idxf)
    g3 = g.reshape(b, FP, w)

    out = pl.pallas_call(
        _weights_dot_kernel,
        grid=(b,),
        in_specs=[
            pl.BlockSpec((1, 2, f), lambda i: (i, 0, 0)),
            pl.BlockSpec((1, h), lambda i: (0, 0)),
            pl.BlockSpec((1, h), lambda i: (0, 0)),
            pl.BlockSpec((1, FP, w), lambda i: (i, 0, 0)),
            pl.BlockSpec((1, 1), lambda i: (0, 0)),
        ],
        out_specs=pl.BlockSpec((1, 1), lambda i: (0, 0)),
        out_shape=jax.ShapeDtypeStruct((1, 1), jnp.float32),
    )(yg, lt, et, g3, eps_a)
    return jnp.reshape(out, ())

# --- scband reference (transcript-rebuilt; emitter-appended) ---
"""Pipeline reference for scband-spherical-nss-60868276519530 (READ-ONLY COPY).

The authoritative reference and input builder live on the scoring server;
editing this copy changes nothing except your own understanding.
"""

import jax, jax.numpy as jnp
import numpy as np
import math

H, W = 512, 1024
B, F = 16, 50

def _compute_kernels(h):
    thetas = np.linspace(0.5, h - 0.5, num=h) * math.pi / h
    weight = 1.0 / np.sin(thetas)
    residual = weight % 2
    mask = residual >= 1
    residual[mask] -= 1
    residual[~mask] += 1
    n_ones = (weight - residual).astype(np.int32)
    edge_values = ((weight - n_ones) / 2.0).astype(np.float32)
    lengths = (n_ones + 2).astype(np.int32)
    maxlen = int(lengths.max())
    K = np.zeros((h, maxlen), dtype=np.float32)
    for i in range(h):
        L = int(lengths[i])
        K[i, :L] = 1.0
        K[i, 0] = edge_values[i]
        K[i, L - 1] = edge_values[i]
    return K, lengths, maxlen

_K_np, _L_np, _MAXLEN = _compute_kernels(H)

def setup_inputs(seed=0):
    key = jax.random.key(seed)
    k1, k2 = jax.random.split(key)
    y_pred = jax.random.normal(k1, (B, 1, H, W), dtype=jnp.float32)
    y_gt = jax.random.uniform(k2, (B, F, 2), dtype=jnp.float32)
    eps = jnp.asarray(1e-05, dtype=jnp.float32)
    return {"y_pred": y_pred, "y_gt": y_gt, "eps": eps}

def _build_fixation_map(y_gt, h, w, dtype):
    b, f, _ = y_gt.shape
    xs = jnp.rint(y_gt[:, :, 0] * (w - 1)).astype(jnp.int32)
    ys = jnp.rint(y_gt[:, :, 1] * (h - 1)).astype(jnp.int32)
    Kj = jnp.asarray(_K_np)
    Lj = jnp.asarray(_L_np)
    maxlen = _MAXLEN
    ar = jnp.arange(maxlen)
    fmap = jnp.zeros((b, 1, h, w), dtype=dtype)

    def body(i, fmap):
        bi = i // f
        fi = i % f
        x = xs[bi, fi]
        y = ys[bi, fi]
        pole = (y == 0) | (y == h - 1)
        kern = Kj[y]
        L = Lj[y]
        left = x - L // 2
        pos = (left + ar) % w
        pos = jnp.where(ar < L, pos, w)
        row = fmap[bi, 0, y]
        new_row = row.at[pos].set(kern, mode='drop')
        new_row = jnp.where(pole, jnp.ones((w,), dtype=dtype), new_row)
        return fmap.at[bi, 0, y].set(new_row)

    return jax.lax.fori_loop(0, b * f, body, fmap)

def reference(y_pred, y_gt, eps=1e-05):
    b = y_pred.shape[0]
    h, w = y_pred.shape[2], y_pred.shape[3]
    f = y_gt.shape[1]
    num_fixations = jnp.full((b,), float(f), dtype=jnp.float32)
    num_fixations = jnp.where(num_fixations < eps, eps, num_fixations)
    fmap = _build_fixation_map(y_gt, h, w, y_pred.dtype)
    return jnp.mean(jnp.sum(y_pred * fmap, axis=(1, 2, 3)) / num_fixations)

if __name__ == "__main__":
    import jax
    _d = setup_inputs()
    print(jax.jit(kernel)(*tuple(_d.values())))

</pallas_src>

<mosaic_0001>
#map = affine_map<(d0, d1) -> (0, 0)>
#map1 = affine_map<(d0, d1) -> (0)>
module attributes {stable_mosaic.version = 14 : i64} {
  func.func @_sc_gather_kernel(%arg0: i32, %arg1: i32, %arg2: memref<8192x1024xf32, #tpu.memory_space<hbm>>, %arg3: memref<1024xi32, #tpu.memory_space<hbm>>, %arg4: memref<1024x1024xf32, #tpu.memory_space<hbm>>, %arg5: memref<32xi32, #tpu.memory_space<vmem>>, %arg6: memref<32x1024xf32, #tpu.memory_space<vmem>>, %arg7: memref<!tpu.dma_semaphore, #tpu.memory_space<semaphore_mem>>) attributes {dimension_semantics = [#tpu.dimension_semantics<core_parallel>, #tpu.dimension_semantics<subcore_parallel>], iteration_bounds = array<i64: 2, 16>, scalar_prefetch = 0 : i64, scratch_operands = 3 : i64, tpu.core_type = #tpu.core_type<sc_vector_subcore>, window_params = [{transform_indices = #map}, {transform_indices = #map1}, {transform_indices = #map}]} {
    %mul3A = arith.constant 2 : i32
    %mul3A_0 = arith.muli %arg1, %mul3A : i32
    %add3A = arith.addi %mul3A_0, %arg0 : i32
    %mul3A_1 = arith.constant 32 : i32
    %mul3A_2 = arith.muli %add3A, %mul3A_1 : i32
    "tpu.region"() ({
      %run_scoped3A = tpu.sem_alloc : memref<!tpu.dma_semaphore, #tpu.memory_space<semaphore_mem>>
      %dma_start3A_7 = tpu.memref_slice %arg3[%mul3A_2] : memref<1024xi32, #tpu.memory_space<hbm>> -> memref<32xi32, #tpu.memory_space<hbm>>
      %dma_start3A_8 = tpu.memref_slice %arg3[%mul3A_2] : memref<1024xi32, #tpu.memory_space<hbm>> -> memref<32xi32, #tpu.memory_space<hbm>>
      tpu.enqueue_dma source(%dma_start3A_8 : memref<32xi32, #tpu.memory_space<hbm>>) target(%arg5 : memref<32xi32, #tpu.memory_space<vmem>>) target_semaphore(%run_scoped3A : memref<!tpu.dma_semaphore, #tpu.memory_space<semaphore_mem>>)
      %dma_wait3A_9 = tpu.memref_slice %arg3[%mul3A_2] : memref<1024xi32, #tpu.memory_space<hbm>> -> memref<32xi32, #tpu.memory_space<hbm>>
      %dma_wait3A_10 = tpu.memref_slice %arg3[%mul3A_2] : memref<1024xi32, #tpu.memory_space<hbm>> -> memref<32xi32, #tpu.memory_space<hbm>>
      tpu.wait_dma2 semaphore(%run_scoped3A : memref<!tpu.dma_semaphore, #tpu.memory_space<semaphore_mem>>) src(%dma_wait3A_10 : memref<32xi32, #tpu.memory_space<hbm>>) dst(%arg5 : memref<32xi32, #tpu.memory_space<vmem>>)
      tpu.yield
    }) : () -> ()
    %dma_start3A = arith.constant 0 : i32
    %dma_start3A_3 = arith.constant 0 : i32
    %dma_start3A_4 = tpu.memref_slice %arg2[%dma_start3A, %dma_start3A_3] : memref<8192x1024xf32, #tpu.memory_space<hbm>> -> memref<8192x1024xf32, #tpu.memory_space<hbm>>
    tpu.enqueue_indirect_dma source(%dma_start3A_4 : memref<8192x1024xf32, #tpu.memory_space<hbm>>) target(%arg6 : memref<32x1024xf32, #tpu.memory_space<vmem>>) offsets(%arg5 : memref<32xi32, #tpu.memory_space<vmem>>) semaphore(%arg7 : memref<!tpu.dma_semaphore, #tpu.memory_space<semaphore_mem>>)
    %dma_wait3A = arith.constant 0 : i32
    %dma_wait3A_5 = arith.constant 0 : i32
    %dma_wait3A_6 = tpu.memref_slice %arg2[%dma_wait3A, %dma_wait3A_5] : memref<8192x1024xf32, #tpu.memory_space<hbm>> -> memref<8192x1024xf32, #tpu.memory_space<hbm>>
    tpu.wait_indirect_dma semaphore(%arg7 : memref<!tpu.dma_semaphore, #tpu.memory_space<semaphore_mem>>) src(%dma_wait3A_6 : memref<8192x1024xf32, #tpu.memory_space<hbm>>) dst(%arg6 : memref<32x1024xf32, #tpu.memory_space<vmem>>)
    "tpu.region"() ({
      %run_scoped3A = tpu.sem_alloc : memref<!tpu.dma_semaphore, #tpu.memory_space<semaphore_mem>>
      %dma_start3A_7 = arith.constant 0 : i32
      %dma_start3A_8 = tpu.memref_slice %arg4[%mul3A_2, %dma_start3A_7] : memref<1024x1024xf32, #tpu.memory_space<hbm>> -> memref<32x1024xf32, #tpu.memory_space<hbm>>
      %dma_start3A_9 = arith.constant 0 : i32
      %dma_start3A_10 = tpu.memref_slice %arg4[%mul3A_2, %dma_start3A_9] : memref<1024x1024xf32, #tpu.memory_space<hbm>> -> memref<32x1024xf32, #tpu.memory_space<hbm>>
      tpu.enqueue_dma source(%arg6 : memref<32x1024xf32, #tpu.memory_space<vmem>>) target(%dma_start3A_10 : memref<32x1024xf32, #tpu.memory_space<hbm>>) target_semaphore(%run_scoped3A : memref<!tpu.dma_semaphore, #tpu.memory_space<semaphore_mem>>)
      %dma_wait3A_11 = arith.constant 0 : i32
      %dma_wait3A_12 = tpu.memref_slice %arg4[%mul3A_2, %dma_wait3A_11] : memref<1024x1024xf32, #tpu.memory_space<hbm>> -> memref<32x1024xf32, #tpu.memory_space<hbm>>
      %dma_wait3A_13 = arith.constant 0 : i32
      %dma_wait3A_14 = tpu.memref_slice %arg4[%mul3A_2, %dma_wait3A_13] : memref<1024x1024xf32, #tpu.memory_space<hbm>> -> memref<32x1024xf32, #tpu.memory_space<hbm>>
      tpu.wait_dma2 semaphore(%run_scoped3A : memref<!tpu.dma_semaphore, #tpu.memory_space<semaphore_mem>>) src(%arg6 : memref<32x1024xf32, #tpu.memory_space<vmem>>) dst(%dma_wait3A_14 : memref<32x1024xf32, #tpu.memory_space<hbm>>)
      tpu.yield
    }) : () -> ()
    return
  }
}

module attributes {stable_mosaic.version = 14 : i64} {
  func.func @_weights_dot_kernel(%arg0: i32, %arg1: memref<1x2x50xf32, #tpu.memory_space<vmem>>, %arg2: memref<1x512xf32, #tpu.memory_space<vmem>>, %arg3: memref<1x512xf32, #tpu.memory_space<vmem>>, %arg4: memref<1x64x1024xf32, #tpu.memory_space<vmem>>, %arg5: memref<1x1xf32, #tpu.memory_space<vmem>>, %arg6: memref<1x1xf32, #tpu.memory_space<vmem>>) attributes {dimension_semantics = [#tpu.dimension_semantics<arbitrary>], iteration_bounds = array<i64: 16>, scalar_prefetch = 0 : i64, scratch_operands = 0 : i64, tpu.core_type = #tpu.core_type<tc>, window_params = [{transform_indices = @transform_0, window_bounds = array<i64: 1, 2, 50>}, {pipeline_mode = #tpu.pipeline_mode<synchronous>, transform_indices = @transform_1, window_bounds = array<i64: 1, 512>}, {pipeline_mode = #tpu.pipeline_mode<synchronous>, transform_indices = @transform_2, window_bounds = array<i64: 1, 512>}, {transform_indices = @transform_3, window_bounds = array<i64: 1, 64, 1024>}, {pipeline_mode = #tpu.pipeline_mode<synchronous>, transform_indices = @transform_4, window_bounds = array<i64: 1, 1>}, {pipeline_mode = #tpu.pipeline_mode<synchronous>, transform_indices = @transform_5, window_bounds = array<i64: 1, 1>}]} {
    %get3A = arith.constant 0 : index
    %get3A_0 = arith.constant 0 : index
    %get3A_1 = arith.constant 0 : index
    %get3A_2 = vector.load %arg1[%get3A, %get3A_0, %get3A_1] : memref<1x2x50xf32, #tpu.memory_space<vmem>>, vector<1x1x50xf32>
    %get3A_3 = vector.shape_cast %get3A_2 : vector<1x1x50xf32> to vector<1x50xf32>
    %mul3A = arith.constant 1.023000e+03 : f32
    %mul3A_4 = vector.broadcast %mul3A : f32 to vector<1x50xf32>
    %mul3A_5 = arith.mulf %get3A_3, %mul3A_4 : vector<1x50xf32>
    %round3A = math.roundeven %mul3A_5 : vector<1x50xf32>
    %get3A_6 = arith.constant 0 : index
    %get3A_7 = arith.constant 1 : index
    %get3A_8 = arith.constant 0 : index
    %get3A_9 = vector.load %arg1[%get3A_6, %get3A_7, %get3A_8] : memref<1x2x50xf32, #tpu.memory_space<vmem>>, vector<1x1x50xf32>
    %get3A_10 = vector.shape_cast %get3A_9 : vector<1x1x50xf32> to vector<1x50xf32>
    %mul3A_11 = arith.constant 5.110000e+02 : f32
    %mul3A_12 = vector.broadcast %mul3A_11 : f32 to vector<1x50xf32>
    %mul3A_13 = arith.mulf %get3A_10, %mul3A_12 : vector<1x50xf32>
    %round3A_14 = math.roundeven %mul3A_13 : vector<1x50xf32>
    %iota3A = tpu.iota {dimensions = array<i32: 0>} : vector<50x50xi32>
    %iota3A_15 = tpu.iota {dimensions = array<i32: 1>} : vector<50x50xi32>
    %eq3A = arith.cmpi eq, %iota3A, %iota3A_15 : vector<50x50xi32>
    %convert_element_type3A = arith.extui %eq3A : vector<50x50xi1> to vector<50x50xi32>
    %convert_element_type3A_16 = arith.sitofp %convert_element_type3A : vector<50x50xi32> to vector<50x50xf32>
    %mul3A_17 = vector.broadcast %round3A : vector<1x50xf32> to vector<50x50xf32>
    %mul3A_18 = arith.mulf %convert_element_type3A_16, %mul3A_17 : vector<50x50xf32>
    %reduce_sum3A = arith.constant dense<0.000000e+00> : vector<50xf32>
    %reduce_sum3A_19 = vector.multi_reduction <add>, %mul3A_18, %reduce_sum3A [1] : vector<50x50xf32> to vector<50xf32>
    %broadcast_in_dim3A = vector.shape_cast %reduce_sum3A_19 : vector<50xf32> to vector<50x1xf32>
    %mul3A_20 = vector.broadcast %round3A_14 : vector<1x50xf32> to vector<50x50xf32>
    %mul3A_21 = arith.mulf %convert_element_type3A_16, %mul3A_20 : vector<50x50xf32>
    %reduce_sum3A_22 = arith.constant dense<0.000000e+00> : vector<50xf32>
    %reduce_sum3A_23 = vector.multi_reduction <add>, %mul3A_21, %reduce_sum3A_22 [1] : vector<50x50xf32> to vector<50xf32>
    %broadcast_in_dim3A_24 = vector.shape_cast %reduce_sum3A_23 : vector<50xf32> to vector<50x1xf32>
    %convert_element_type3A_25 = arith.fptosi %broadcast_in_dim3A : vector<50x1xf32> to vector<50x1xi32>
    %convert_element_type3A_26 = arith.fptosi %broadcast_in_dim3A_24 : vector<50x1xf32> to vector<50x1xi32>
    %iota3A_27 = tpu.iota {dimensions = array<i32: 1>} : vector<50x512xi32>
    %eq3A_28 = vector.broadcast %convert_element_type3A_26 : vector<50x1xi32> to vector<50x512xi32>
    %eq3A_29 = arith.cmpi eq, %eq3A_28, %iota3A_27 : vector<50x512xi32>
    %convert_element_type3A_30 = arith.extui %eq3A_29 : vector<50x512xi1> to vector<50x512xi32>
    %convert_element_type3A_31 = arith.sitofp %convert_element_type3A_30 : vector<50x512xi32> to vector<50x512xf32>
    %get3A_32 = arith.constant 0 : index
    %get3A_33 = arith.constant 0 : index
    %get3A_34 = vector.load %arg2[%get3A_32, %get3A_33] : memref<1x512xf32, #tpu.memory_space<vmem>>, vector<1x512xf32>
    %mul3A_35 = vector.broadcast %get3A_34 : vector<1x512xf32> to vector<50x512xf32>
    %mul3A_36 = arith.mulf %convert_element_type3A_31, %mul3A_35 : vector<50x512xf32>
    %reduce_sum3A_37 = arith.constant dense<0.000000e+00> : vector<50xf32>
    %reduce_sum3A_38 = vector.multi_reduction <add>, %mul3A_36, %reduce_sum3A_37 [1] : vector<50x512xf32> to vector<50xf32>
    %broadcast_in_dim3A_39 = vector.shape_cast %reduce_sum3A_38 : vector<50xf32> to vector<50x1xf32>
    %get3A_40 = arith.constant 0 : index
    %get3A_41 = arith.constant 0 : index
    %get3A_42 = vector.load %arg3[%get3A_40, %get3A_41] : memref<1x512xf32, #tpu.memory_space<vmem>>, vector<1x512xf32>
    %mul3A_43 = vector.broadcast %get3A_42 : vector<1x512xf32> to vector<50x512xf32>
    %mul3A_44 = arith.mulf %convert_element_type3A_31, %mul3A_43 : vector<50x512xf32>
    %reduce_sum3A_45 = arith.constant dense<0.000000e+00> : vector<50xf32>
    %reduce_sum3A_46 = vector.multi_reduction <add>, %mul3A_44, %reduce_sum3A_45 [1] : vector<50x512xf32> to vector<50xf32>
    %broadcast_in_dim3A_47 = vector.shape_cast %reduce_sum3A_46 : vector<50xf32> to vector<50x1xf32>
    %convert_element_type3A_48 = arith.fptosi %broadcast_in_dim3A_39 : vector<50x1xf32> to vector<50x1xi32>
    %eq3A_49 = arith.constant 0 : i32
    %eq3A_50 = vector.broadcast %eq3A_49 : i32 to vector<50x1xi32>
    %eq3A_51 = arith.cmpi eq, %convert_element_type3A_26, %eq3A_50 : vector<50x1xi32>
    %eq3A_52 = arith.constant 511 : i32
    %eq3A_53 = vector.broadcast %eq3A_52 : i32 to vector<50x1xi32>
    %eq3A_54 = arith.cmpi eq, %convert_element_type3A_26, %eq3A_53 : vector<50x1xi32>
    %or3A = arith.ori %eq3A_51, %eq3A_54 : vector<50x1xi1>
    %jit3A = arith.constant 1024 : i32
    %broadcast_in_dim3A_55 = vector.broadcast %jit3A : i32 to vector<50x1xi32>
    %select_n3A = arith.select %or3A, %broadcast_in_dim3A_55, %convert_element_type3A_48 : vector<50x1xi1>, vector<50x1xi32>
    %jit3A_56 = arith.constant 1.000000e+00 : f32
    %broadcast_in_dim3A_57 = vector.broadcast %jit3A_56 : f32 to vector<50x1xf32>
    %select_n3A_58 = arith.select %or3A, %broadcast_in_dim3A_57, %broadcast_in_dim3A_47 : vector<50x1xi1>, vector<50x1xf32>
    %jit3A_59 = arith.constant 2 : i32
    %div3A = vector.broadcast %jit3A_59 : i32 to vector<50x1xi32>
    %div3A_60 = arith.divsi %select_n3A, %div3A : vector<50x1xi32>
    %sign3A = arith.constant 0 : i32
    %sign3A_61 = vector.broadcast %sign3A : i32 to vector<50x1xi32>
    %sign3A_62 = arith.cmpi sgt, %select_n3A, %sign3A_61 : vector<50x1xi32>
    %sign3A_63 = arith.extui %sign3A_62 : vector<50x1xi1> to vector<50x1xi32>
    %sign3A_64 = arith.constant 0 : i32
    %sign3A_65 = vector.broadcast %sign3A_64 : i32 to vector<50x1xi32>
    %sign3A_66 = arith.cmpi slt, %select_n3A, %sign3A_65 : vector<50x1xi32>
    %sign3A_67 = arith.extui %sign3A_66 : vector<50x1xi1> to vector<50x1xi32>
    %sign3A_68 = arith.subi %sign3A_63, %sign3A_67 : vector<50x1xi32>
    %sign3A_69 = arith.constant 0 : i32
    %sign3A_70 = arith.cmpi sgt, %jit3A_59, %sign3A_69 : i32
    %sign3A_71 = arith.extui %sign3A_70 : i1 to i32
    %sign3A_72 = arith.constant 0 : i32
    %sign3A_73 = arith.cmpi slt, %jit3A_59, %sign3A_72 : i32
    %sign3A_74 = arith.extui %sign3A_73 : i1 to i32
    %sign3A_75 = arith.subi %sign3A_71, %sign3A_74 : i32
    %ne3A = vector.broadcast %sign3A_75 : i32 to vector<50x1xi32>
    %ne3A_76 = arith.cmpi ne, %sign3A_68, %ne3A : vector<50x1xi32>
    %rem3A = vector.broadcast %jit3A_59 : i32 to vector<50x1xi32>
    %rem3A_77 = arith.remsi %select_n3A, %rem3A : vector<50x1xi32>
    %ne3A_78 = arith.constant 0 : i32
    %ne3A_79 = vector.broadcast %ne3A_78 : i32 to vector<50x1xi32>
    %ne3A_80 = arith.cmpi ne, %rem3A_77, %ne3A_79 : vector<50x1xi32>
    %and3A = arith.andi %ne3A_76, %ne3A_80 : vector<50x1xi1>
    %sub3A = arith.constant 1 : i32
    %sub3A_81 = vector.broadcast %sub3A : i32 to vector<50x1xi32>
    %sub3A_82 = arith.subi %div3A_60, %sub3A_81 : vector<50x1xi32>
    %select_n3A_83 = arith.select %and3A, %sub3A_82, %div3A_60 : vector<50x1xi1>, vector<50x1xi32>
    %sub3A_84 = arith.subi %convert_element_type3A_25, %select_n3A_83 : vector<50x1xi32>
    %jit3A_85 = arith.constant 0 : i32
    %broadcast_in_dim3A_86 = vector.broadcast %jit3A_85 : i32 to vector<50x1xi32>
    %select_n3A_87 = arith.select %or3A, %broadcast_in_dim3A_86, %sub3A_84 : vector<50x1xi1>, vector<50x1xi32>
    %iota3A_88 = tpu.iota {dimensions = array<i32: 1>} : vector<50x1024xi32>
    %sub3A_89 = vector.broadcast %select_n3A_87 : vector<50x1xi32> to vector<50x1024xi32>
    %sub3A_90 = arith.subi %iota3A_88, %sub3A_89 : vector<50x1024xi32>
    %add3A = arith.constant 2048 : i32
    %add3A_91 = vector.broadcast %add3A : i32 to vector<50x1024xi32>
    %add3A_92 = arith.addi %sub3A_90, %add3A_91 : vector<50x1024xi32>
    %rem3A_93 = arith.constant 1024 : i32
    %rem3A_94 = vector.broadcast %rem3A_93 : i32 to vector<50x1024xi32>
    %rem3A_95 = arith.remsi %add3A_92, %rem3A_94 : vector<50x1024xi32>
    %lt3A = vector.broadcast %select_n3A : vector<50x1xi32> to vector<50x1024xi32>
    %lt3A_96 = arith.cmpi slt, %rem3A_95, %lt3A : vector<50x1024xi32>
    %convert_element_type3A_97 = arith.extui %lt3A_96 : vector<50x1024xi1> to vector<50x1024xi32>
    %convert_element_type3A_98 = arith.sitofp %convert_element_type3A_97 : vector<50x1024xi32> to vector<50x1024xf32>
    %eq3A_99 = arith.constant 0 : i32
    %eq3A_100 = vector.broadcast %eq3A_99 : i32 to vector<50x1024xi32>
    %eq3A_101 = arith.cmpi eq, %rem3A_95, %eq3A_100 : vector<50x1024xi32>
    %sub3A_102 = arith.constant 1 : i32
    %sub3A_103 = vector.broadcast %sub3A_102 : i32 to vector<50x1xi32>
    %sub3A_104 = arith.subi %select_n3A, %sub3A_103 : vector<50x1xi32>
    %eq3A_105 = vector.broadcast %sub3A_104 : vector<50x1xi32> to vector<50x1024xi32>
    %eq3A_106 = arith.cmpi eq, %rem3A_95, %eq3A_105 : vector<50x1024xi32>
    %or3A_107 = arith.ori %eq3A_101, %eq3A_106 : vector<50x1024xi1>
    %jit3A_108 = arith.constant 1.000000e+00 : f32
    %broadcast_in_dim3A_109 = vector.shape_cast %select_n3A_58 : vector<50x1xf32> to vector<50x1xf32>
    %broadcast_in_dim3A_110 = vector.broadcast %broadcast_in_dim3A_109 : vector<50x1xf32> to vector<50x1024xf32>
    %broadcast_in_dim3A_111 = vector.broadcast %jit3A_108 : f32 to vector<50x1024xf32>
    %select_n3A_112 = arith.select %or3A_107, %broadcast_in_dim3A_110, %broadcast_in_dim3A_111 : vector<50x1024xi1>, vector<50x1024xf32>
    %gt3A = arith.cmpi sgt, %iota3A_15, %iota3A : vector<50x50xi32>
    %convert_element_type3A_113 = arith.sitofp %convert_element_type3A_26 : vector<50x1xi32> to vector<50x1xf32>
    %eq3A_114 = vector.broadcast %convert_element_type3A_113 : vector<50x1xf32> to vector<50x50xf32>
    %eq3A_115 = vector.broadcast %round3A_14 : vector<1x50xf32> to vector<50x50xf32>
    %eq3A_116 = arith.cmpf oeq, %eq3A_114, %eq3A_115 : vector<50x50xf32>
    %and3A_117 = arith.andi %gt3A, %eq3A_116 : vector<50x50xi1>
    %convert_element_type3A_118 = arith.extui %and3A_117 : vector<50x50xi1> to vector<50x50xi32>
    %convert_element_type3A_119 = arith.sitofp %convert_element_type3A_118 : vector<50x50xi32> to vector<50x50xf32>
    %convert_element_type3A_120 = arith.truncf %convert_element_type3A_119 : vector<50x50xf32> to vector<50x50xbf16>
    %convert_element_type3A_121 = arith.truncf %convert_element_type3A_98 : vector<50x1024xf32> to vector<50x1024xbf16>
    %dot_general3A = arith.constant dense<0.000000e+00> : vector<50x1024xf32>
    %dot_general3A_122 = tpu.matmul %convert_element_type3A_120, %convert_element_type3A_121, %dot_general3A {dimension_numbers = #tpu.dot_dimension_numbers<[1], [0], [0], [1], [0, 0, 1, 1], [], []>, transpose_lhs_hint = false} : vector<50x50xbf16>, vector<50x1024xbf16>, vector<50x1024xf32> -> vector<50x1024xf32>
    %lt3A_123 = arith.constant 5.000000e-01 : f32
    %lt3A_124 = vector.broadcast %lt3A_123 : f32 to vector<50x1024xf32>
    %lt3A_125 = arith.cmpf olt, %dot_general3A_122, %lt3A_124 : vector<50x1024xf32>
    %convert_element_type3A_126 = arith.extui %lt3A_125 : vector<50x1024xi1> to vector<50x1024xi32>
    %convert_element_type3A_127 = arith.sitofp %convert_element_type3A_126 : vector<50x1024xi32> to vector<50x1024xf32>
    %mul3A_128 = arith.mulf %convert_element_type3A_98, %convert_element_type3A_127 : vector<50x1024xf32>
    %mul3A_129 = arith.mulf %mul3A_128, %select_n3A_112 : vector<50x1024xf32>
    %get3A_130 = arith.constant 0 : index
    %get3A_131 = arith.constant 0 : index
    %get3A_132 = arith.constant 0 : index
    %get3A_133 = vector.load %arg4[%get3A_130, %get3A_131, %get3A_132] : memref<1x64x1024xf32, #tpu.memory_space<vmem>>, vector<1x50x1024xf32>
    %get3A_134 = vector.shape_cast %get3A_133 : vector<1x50x1024xf32> to vector<50x1024xf32>
    %mul3A_135 = arith.mulf %mul3A_129, %get3A_134 : vector<50x1024xf32>
    %reduce_sum3A_136 = vector.shape_cast %mul3A_135 : vector<50x1024xf32> to vector<1x50x1024xf32>
    %reduce_sum3A_137 = arith.constant dense<0.000000e+00> : vector<1xf32>
    %reduce_sum3A_138 = vector.multi_reduction <add>, %reduce_sum3A_136, %reduce_sum3A_137 [1, 2] : vector<1x50x1024xf32> to vector<1xf32>
    %reduce_sum3A_139 = vector.shape_cast %reduce_sum3A_138 : vector<1xf32> to vector<1x1x1xf32>
    %reduce_sum3A_140 = vector.extract %reduce_sum3A_139[0, 0, 0] : f32 from vector<1x1x1xf32>
    %eq3A_141 = arith.constant 0 : i32
    %eq3A_142 = arith.cmpi eq, %arg0, %eq3A_141 : i32
    %convert_element_type3A_143 = arith.extui %eq3A_142 : i1 to i32
    %cond3A = arith.constant 0 : i32
    %cond3A_144 = arith.cmpi ne, %convert_element_type3A_143, %cond3A : i32
    scf.if %cond3A_144 {
      %broadcast_in_dim3A_156 = arith.constant 0.000000e+00 : f32
      %broadcast_in_dim3A_157 = vector.broadcast %broadcast_in_dim3A_156 : f32 to vector<1x1xf32>
      %swap3A_158 = arith.constant 0 : index
      %swap3A_159 = arith.constant 0 : index
      %swap3A_160 = vector.load %arg6[%swap3A_158, %swap3A_159] : memref<1x1xf32, #tpu.memory_space<vmem>>, vector<1x1xf32>
      tpu.vector_store %arg6[%swap3A_158, %swap3A_159], %broadcast_in_dim3A_157 {strides = array<i32>} : memref<1x1xf32, #tpu.memory_space<vmem>>, vector<1x1xf32>,
    } else {
    }
    %get3A_145 = arith.constant 0 : index
    %get3A_146 = arith.constant 0 : index
    %get3A_147 = vector.load %arg6[%get3A_145, %get3A_146] : memref<1x1xf32, #tpu.memory_space<vmem>>, vector<1x1xf32>
    %reshape3A = vector.broadcast %reduce_sum3A_140 : f32 to vector<1x1xf32>
    %add3A_148 = arith.addf %get3A_147, %reshape3A : vector<1x1xf32>
    %swap3A = arith.constant 0 : index
    %swap3A_149 = arith.constant 0 : index
    %swap3A_150 = vector.load %arg6[%swap3A, %swap3A_149] : memref<1x1xf32, #tpu.memory_space<vmem>>, vector<1x1xf32>
    tpu.vector_store %arg6[%swap3A, %swap3A_149], %add3A_148 {strides = array<i32>} : memref<1x1xf32, #tpu.memory_space<vmem>>, vector<1x1xf32>,
    %eq3A_151 = arith.constant 15 : i32
    %eq3A_152 = arith.cmpi eq, %arg0, %eq3A_151 : i32
    %convert_element_type3A_153 = arith.extui %eq3A_152 : i1 to i32
    %cond3A_154 = arith.constant 0 : i32
    %cond3A_155 = arith.cmpi ne, %convert_element_type3A_153, %cond3A_154 : i32
    scf.if %cond3A_155 {
      %broadcast_in_dim3A_156 = arith.constant 5.000000e+01 : f32
      %broadcast_in_dim3A_157 = vector.broadcast %broadcast_in_dim3A_156 : f32 to vector<1x1xf32>
      %get3A_158 = arith.constant 0 : index
      %get3A_159 = arith.constant 0 : index
      %get3A_160 = vector.load %arg5[%get3A_158, %get3A_159] : memref<1x1xf32, #tpu.memory_space<vmem>>, vector<1x1xf32>
      %lt3A_161 = arith.cmpf olt, %broadcast_in_dim3A_157, %get3A_160 : vector<1x1xf32>
      %select_n3A_162 = arith.select %lt3A_161, %get3A_160, %broadcast_in_dim3A_157 : vector<1x1xi1>, vector<1x1xf32>
      %get3A_163 = arith.constant 0 : index
      %get3A_164 = arith.constant 0 : index
      %get3A_165 = vector.load %arg6[%get3A_163, %get3A_164] : memref<1x1xf32, #tpu.memory_space<vmem>>, vector<1x1xf32>
      %mul3A_166 = arith.constant 1.600000e+01 : f32
      %mul3A_167 = vector.broadcast %mul3A_166 : f32 to vector<1x1xf32>
      %mul3A_168 = arith.mulf %select_n3A_162, %mul3A_167 : vector<1x1xf32>
      %div3A_169 = arith.divf %get3A_165, %mul3A_168 : vector<1x1xf32>
      %swap3A_170 = arith.constant 0 : index
      %swap3A_171 = arith.constant 0 : index
      %swap3A_172 = vector.load %arg6[%swap3A_170, %swap3A_171] : memref<1x1xf32, #tpu.memory_space<vmem>>, vector<1x1xf32>
      tpu.vector_store %arg6[%swap3A_170, %swap3A_171], %div3A_169 {strides = array<i32>} : memref<1x1xf32, #tpu.memory_space<vmem>>, vector<1x1xf32>,
    } else {
    }
    return
  }
  func.func @transform_0(%arg0: i32) -> (i32, i32, i32) {
    %c0_i32 = arith.constant 0 : i32
    %c0_i32_0 = arith.constant 0 : i32
    %c0_i32_1 = arith.constant 0 : i32
    return %arg0, %c0_i32, %c0_i32_0 : i32, i32, i32
  }
  func.func @transform_1(%arg0: i32) -> (i32, i32) {
    %c0_i32 = arith.constant 0 : i32
    %c0_i32_0 = arith.constant 0 : i32
    %c0_i32_1 = arith.constant 0 : i32
    return %c0_i32, %c0_i32_0 : i32, i32
  }
  func.func @transform_2(%arg0: i32) -> (i32, i32) {
    %c0_i32 = arith.constant 0 : i32
    %c0_i32_0 = arith.constant 0 : i32
    %c0_i32_1 = arith.constant 0 : i32
    return %c0_i32, %c0_i32_0 : i32, i32
  }
  func.func @transform_3(%arg0: i32) -> (i32, i32, i32) {
    %c0_i32 = arith.constant 0 : i32
    %c0_i32_0 = arith.constant 0 : i32
    %c0_i32_1 = arith.constant 0 : i32
    return %arg0, %c0_i32, %c0_i32_0 : i32, i32, i32
  }
  func.func @transform_4(%arg0: i32) -> (i32, i32) {
    %c0_i32 = arith.constant 0 : i32
    %c0_i32_0 = arith.constant 0 : i32
    %c0_i32_1 = arith.constant 0 : i32
    return %c0_i32, %c0_i32_0 : i32, i32
  }
  func.func @transform_5(%arg0: i32) -> (i32, i32) {
    %c0_i32 = arith.constant 0 : i32
    %c0_i32_0 = arith.constant 0 : i32
    %c0_i32_1 = arith.constant 0 : i32
    return %c0_i32, %c0_i32_0 : i32, i32
  }
}

module attributes {stable_mosaic.version = 14 : i64} {
  func.func @_index_kernel(%arg0: memref<16x2x50xf32, #tpu.memory_space<vmem>>, %arg1: memref<16x64xi32, #tpu.memory_space<vmem>>) attributes {dimension_semantics = [], scalar_prefetch = 0 : i64, scratch_operands = 0 : i64, tpu.core_type = #tpu.core_type<tc>} {
    %get3A = arith.constant 0 : index
    %get3A_0 = arith.constant 1 : index
    %get3A_1 = arith.constant 0 : index
    %get3A_2 = vector.load %arg0[%get3A, %get3A_0, %get3A_1] : memref<16x2x50xf32, #tpu.memory_space<vmem>>, vector<16x1x50xf32>
    %get3A_3 = vector.shape_cast %get3A_2 : vector<16x1x50xf32> to vector<16x50xf32>
    %mul3A = arith.constant 5.110000e+02 : f32
    %mul3A_4 = vector.broadcast %mul3A : f32 to vector<16x50xf32>
    %mul3A_5 = arith.mulf %get3A_3, %mul3A_4 : vector<16x50xf32>
    %round3A = math.roundeven %mul3A_5 : vector<16x50xf32>
    %convert_element_type3A = arith.fptosi %round3A : vector<16x50xf32> to vector<16x50xi32>
    %broadcast_in_dim3A = arith.constant 0 : i32
    %broadcast_in_dim3A_6 = vector.broadcast %broadcast_in_dim3A : i32 to vector<16x14xi32>
    %concatenate3A = tpu.concatenate %convert_element_type3A, %broadcast_in_dim3A_6 in 1 : vector<16x50xi32>, vector<16x14xi32> -> vector<16x64xi32>
    %iota3A = tpu.iota {dimensions = array<i32: 1>} : vector<16x64xi32>
    %iota3A_7 = tpu.iota {dimensions = array<i32: 0>} : vector<16x64xi32>
    %mul3A_8 = arith.constant 512 : i32
    %mul3A_9 = vector.broadcast %mul3A_8 : i32 to vector<16x64xi32>
    %mul3A_10 = arith.muli %iota3A_7, %mul3A_9 : vector<16x64xi32>
    %lt3A = arith.constant 50 : i32
    %lt3A_11 = vector.broadcast %lt3A : i32 to vector<16x64xi32>
    %lt3A_12 = arith.cmpi slt, %iota3A, %lt3A_11 : vector<16x64xi32>
    %jit3A = arith.constant 0 : i32
    %broadcast_in_dim3A_13 = vector.broadcast %jit3A : i32 to vector<16x64xi32>
    %select_n3A = arith.select %lt3A_12, %concatenate3A, %broadcast_in_dim3A_13 : vector<16x64xi1>, vector<16x64xi32>
    %add3A = arith.addi %mul3A_10, %select_n3A : vector<16x64xi32>
    %swap3A = arith.constant 0 : index
    %swap3A_14 = arith.constant 0 : index
    %swap3A_15 = vector.load %arg1[%swap3A, %swap3A_14] : memref<16x64xi32, #tpu.memory_space<vmem>>, vector<16x64xi32>
    tpu.vector_store %arg1[%swap3A, %swap3A_14], %add3A {strides = array<i32>} : memref<16x64xi32, #tpu.memory_space<vmem>>, vector<16x64xi32>,
    return
  }
}

</mosaic_0001>

<sc_bundles>
// kernel: kernel.5.cloned.1.call-start
scs
__scs_entry_jumppad:
0x0: {  	(pc) =	sbr.rel $0x88, $3  }
0x1: {  	(tag) =	ssettag $0x0;
	lr =	simm.s32 $0x1  }
0x2: {  	[smem:$0x3F9E] =	sst lr;
	_ =	strace $0xD0000000  }
0x3: {  	_ = 	snop  }
0x4: {  	_ = 	snop  }
0x5: {  	_ = 	snop  }
0x6: {  	_ = 	snop  }
0x7: {  	_ = 	snop  }
__scs_overlays_trampoline_lowered:
0x8: {  	[smem:$0x3FAD] =	sst s0  }
0x9: {  	[smem:$0x3FAE] =	sst s1  }
0xa: {  	[smem:$0x3FAF] =	sst s2  }
0xb: {  	[smem:$0x3FB0] =	sst s3  }
0xc: {  	[smem:$0x3FB1] =	sst s4  }
0xd: {  	[smem:$0x3FB2] =	sst s5  }
0xe: {  	[smem:$0x3FB3] =	sst s6  }
0xf: {  	[smem:$0x3FB4] =	sst s7  }
0x10: {  	[smem:$0x3FB5] =	sst s8  }
0x11: {  	[smem:$0x3FB6] =	sst s9;
	s0 =	simm.s32 @!p0 $0x0  }
0x12: {  	s1 =	sld [smem:$0x3F9C];
	s0 =	simm.s32 @p0 $0x1  }
0x13: {  	[smem:$0x3FB7] =	sst s0;
	s0 =	simm.s32 @!p1 $0x0  }
0x14: {  	s2 =	sld [smem:$0x3F9B];
	s0 =	simm.s32 @p1 $0x1  }
0x15: {  	[smem:$0x3FB8] =	sst s0;
	s0 =	simm.s32 @!p2 $0x0  }
0x16: {  	s3 =	sld [smem:$0x3FDB];
	s0 =	simm.s32 @p2 $0x1  }
0x17: {  	s4 =	simm.s32 $0x1BF5;
	[smem:$0x3FBA] =	sst s0  }
0x18: {  	s0 =	sld [smem:$0x3F9D];
	_ =	swait.ge [sflag:s4], $0x0  }
0x19: {  	s7 =	sld [smem:$0x3F9E]  }
0x1a: {  	s8 =	sadd.s32 $0xFFFFE003, lr  }
0x1b: {  	s9 =	sadd.s32 $0xFFFFFEF7, lr;
	s5 =	simm.s32 $0xFFFFFFFF;
	p2 =	slt.u32 s8, $0xFFFFF086  }
0x1c: {  	p1 =	slt.u32 s9, $0xF7A;
	s5 =	simm.s32 @!p2 $0x0  }
0x1d: {  	s5 =	simm.s32 @p1 $0x1;
	p0 =	seq.s32 s7, s2  }
0x1e: {  	s7 =	smul.u32 @!p0 $0xF7A, s2;
	p2 =	seq.s32 @!p0 s5, $0x0  }
0x1f: {  	s9 =	smul.u32 $0xF7A, s1;
	s8 =	simm.s32 @!p0 $0x1BF5;
	p2 =	por !p2, p0  }
0x20: {  	[sflag:s8] =	ssyncset.s32 @!p0 $0xFFFFF086;
	s6 =	sadd.s32 @!p0 s3, s7;
	s7 =	simm.s32 @!p0 $0x108  }
0x21: {  	s3 =	sadd.s32 s3, s9;
	s6 =	sadd.s32 @!p0 $0x88, s6;
	s7 =	simm.s32 @p2 $0x1082  }
0x22: {  	[simem:s7], [sflag:s8] =	dma.local @!p0 [hbm:s6], $0xF7A  }
0x23: {  	s9 =	sor.u32 $0xD0000000, s2;
	s6 =	simm.s32 $0x108;
	_ =	swait.ge @!p0 [sflag:s8], $0x0  }
0x24: {  	s3 =	sadd.s32 $0x88, s3;
	s6 =	simm.s32 @!p1 $0x1082;
	[sflag:s4] =	ssyncset.s32 $0xFFFFF086  }
0x25: {  	[simem:s6], [sflag:s4] =	dma.local [hbm:s3], $0xF7A  }
0x26: {  	[smem:$0x3F9E] =	sst s1;
	(tag) =	ssettag s2;
	_ =	strace s9  }
0x27: {  	s1 =	sld [smem:$0x3FAE]  }
0x28: {  	s2 =	sld [smem:$0x3FAF]  }
0x29: {  	s4 =	sld [smem:$0x3FB1]  }
0x2a: {  	p0 =	seq.s32 s5, $0x0;
	s5 =	sld [smem:$0x3FB2]  }
0x2b: {  	s6 =	sld [smem:$0x3FB3]  }
0x2c: {  	s7 =	sld [smem:$0x3FB4]  }
0x2d: {  	s3 =	simm.s32 $0x108;
	s8 =	sld [smem:$0x3FB5]  }
0x2e: {  	s3 =	simm.s32 @!p0 $0x1082;
	s9 =	sld [smem:$0x3FB6]  }
0x2f: {  	lr =	sadd.s32 s0, s3;
	s0 =	sld [smem:$0x3FAD]  }
0x30: {  	s3 =	sld [smem:$0x3FB0]  }
0x31: {  	[smem:$0x3FB9] =	sst s10  }
0x32: {  	s10 =	sld [smem:$0x3FB7];
	_ =	sdelay $0x3  }
0x33: {  	p0 =	seq.s32 s10, $0x1;
	s10 =	sld [smem:$0x3FB9];
	_ =	sdelay $0x3  }
0x34: {  	[smem:$0x3FB9] =	sst s10  }
0x35: {  	s10 =	sld [smem:$0x3FB8];
	_ =	sdelay $0x3  }
0x36: {  	p1 =	seq.s32 s10, $0x1;
	s10 =	sld [smem:$0x3FB9];
	_ =	sdelay $0x3  }
0x37: {  	[smem:$0x3FB9] =	sst s10  }
0x38: {  	s10 =	sld [smem:$0x3FBA]  }
0x39: {  	_ = 	snop;
	(pc) =	sbr.ind lr, $3  }
0x3a: {  	_ = 	snop  }
0x3b: {  	_ = 	snop  }
0x3c: {  	p2 =	seq.s32 s10, $0x1;
	s10 =	sld [smem:$0x3FB9]  }
0x3d: {  	_ =	shalt  }
0x3e: {  	_ =	shalt  }
0x3f: {  	_ =	shalt  }
0x40: {  	_ =	shalt  }
0x41: {  	_ =	shalt  }
0x42: {  	_ =	shalt  }
0x43: {  	_ =	shalt  }
0x44: {  	_ =	shalt  }
0x45: {  	_ =	shalt  }
0x46: {  	_ =	shalt  }
0x47: {  	_ =	shalt  }
0x48: {  	_ =	shalt  }
0x49: {  	_ =	shalt  }
0x4a: {  	_ =	shalt  }
0x4b: {  	_ =	shalt  }
0x4c: {  	_ =	shalt  }
0x4d: {  	_ =	shalt  }
0x4e: {  	_ =	shalt  }
0x4f: {  	_ =	shalt  }
0x50: {  	_ =	shalt  }
0x51: {  	_ =	shalt  }
0x52: {  	_ =	shalt  }
0x53: {  	_ =	shalt  }
0x54: {  	_ =	shalt  }
0x55: {  	_ =	shalt  }
0x56: {  	_ =	shalt  }
0x57: {  	_ =	shalt  }
0x58: {  	_ =	shalt  }
0x59: {  	_ =	shalt  }
0x5a: {  	_ =	shalt  }
0x5b: {  	_ =	shalt  }
0x5c: {  	_ =	shalt  }
0x5d: {  	_ =	shalt  }
0x5e: {  	_ =	shalt  }
0x5f: {  	_ =	shalt  }
0x60: {  	_ =	shalt  }
0x61: {  	_ =	shalt  }
0x62: {  	_ =	shalt  }
0x63: {  	_ =	shalt  }
0x64: {  	_ =	shalt  }
0x65: {  	_ =	shalt  }
0x66: {  	_ =	shalt  }
0x67: {  	_ =	shalt  }
0x68: {  	_ =	shalt  }
0x69: {  	_ =	shalt  }
0x6a: {  	_ =	shalt  }
0x6b: {  	_ =	shalt  }
0x6c: {  	_ =	shalt  }
0x6d: {  	_ =	shalt  }
0x6e: {  	_ =	shalt  }
0x6f: {  	_ =	shalt  }
0x70: {  	_ =	shalt  }
0x71: {  	_ =	shalt  }
0x72: {  	_ =	shalt  }
0x73: {  	_ =	shalt  }
0x74: {  	_ =	shalt  }
0x75: {  	_ =	shalt  }
0x76: {  	_ =	shalt  }
0x77: {  	_ =	shalt  }
0x78: {  	_ =	shalt  }
0x79: {  	_ =	shalt  }
0x7a: {  	_ =	shalt  }
0x7b: {  	_ =	shalt  }
0x7c: {  	_ =	shalt  }
0x7d: {  	_ =	shalt  }
0x7e: {  	_ =	shalt  }
0x7f: {  	_ =	shalt  }
0x80: {  	_ =	shalt  }
0x81: {  	_ =	shalt  }
0x82: {  	_ =	shalt  }
0x83: {  	_ =	shalt  }
0x84: {  	_ =	shalt  }
0x85: {  	_ =	shalt  }
0x86: {  	_ =	shalt  }
0x87: {  	_ =	shalt  }
.Lfunc_end0:
.L_simem_size_0:
called_computation_lowered:
.L_overlay_start_0:
0x88: {  	s2 =	sld [smem:$0x3FD9]  }
0x89: {  	s3 =	sld [smem:$0x3FFE];
	_ =	sdelay $0x1  }
0x8a: {  	s1 =	srdreg.scid  }
0x8b: {  	s0 =	sand.u32 $0x1, s1  }
0x8c: {  	s17 =	sshll.u32 s0, $0xA;
	s2 =	sadd.s32 s3, s2  }
0x8d: {  	s2 =	sadd.s32 s2, s17  }
0x8e: {  	[smem:$0x3FC5] =	sst s2  }
0x8f: {  	_ = 	snop  }
0x90: {  	s2 =	sld [smem:$0x3FC9];
	(tm) =	ssettm $0x1  }
0x91: {  	s18 =	sld [smem:$0x3FFB];
	_ =	sdelay $0x3  }
0x92: {  	_ =	strace s18  }
0x93: {  	s3 =	sld [smem:$0x3FFC];
	_ =	sdelay $0x3  }
0x94: {  	_ =	strace s3  }
0x95: {  	s3 =	sld [smem:$0x3FFD];
	_ =	sdelay $0x3  }
0x96: {  	_ =	strace s3  }
0x97: {  	_ =	strace $0x8FFFFFFF  }
0x98: {  	s19 =	sld [smem:$0x3FDB];
	_ =	sdelay $0x1  }
0x99: {  	s4 =	simm.s32 $_scs_section_size  }
0x9a: {  	s5 =	simm.s32 $_size__tile_overlayer_lowered;
	s6 =	simm.s32 $_tile_overlayer_lowered  }
0x9b: {  	s22 =	simm.s32 $0x1BFF;
	s21 =	sshll.u32 s6, $0x1;
	s3 =	sadd.s32 s4, s19  }
0x9c: {  	s7 =	simm.s32 $0x0;
	s20 =	sshll.u32 s5, $0x1;
	s5 =	sadd.s32 s21, s3  }
0x9d: {  	[timem:s7], [sflag:s22] =	dma.local [hbm:s5], s20  }
0x9e: {  	_ =	swait.ge [sflag:s22], s20  }
0x9f: {  	s4 =	ssub.s32 $0x0, s20;
	[sflag:s22] =	ssyncset.done $0x0  }
0xa0: {  	[sflag:s22] =	ssyncadd.s32 s4;
	_ =	sdelay $0x1  }
0xa1: {  	s23 =	simm.s32 $0x1B8B  }
0xa2: {  	_ =	swait.ge [sflag:s23], $0x1  }
0xa3: {  	[sflag:s23] =	ssyncset.done $0x0  }
0xa4: {  	s25 =	simm.s32 $0x1B8E;
	s24 =	sld [smem:$0x3FFE];
	[sflag:s23] =	ssyncadd.s32 $0xFFFFFFFF  }
0xa5: {  	s26 =	simm.s32 $execute0_lowered;
	[smem:$0x3FD2] =	sst s25  }
0xa6: {  	s5 =	sshll.u32 s26, $0x1;
	_ =	strace $0x80000046;
	[dreg:$0x1] =	wrdreg $0xFFFFFFFF  }
0xa7: {  	s28 =	simm.s32 $_size_execute0_lowered;
	s3 =	sadd.s32 s3, s5;
	[dreg:$0x0] =	wrdreg $0x0  }
0xa8: {  	s5 =	sshll.u32 s28, $0x1;
	[dreg:$0x2] =	wrdreg s3  }
0xa9: {  	[dreg:$0x3] =	wrdreg s5  }
0xaa: {  	[dreg:$0x4] =	wrdreg $0xC0  }
0xab: {  	_ =	task [dreg:s7], $0x5FFFF  }
0xac: {  	[dreg:$0x1] =	wrdreg $0xFFFFFFFF  }
0xad: {  	[dreg:$0x0] =	wrdreg $0x60  }
0xae: {  	[dreg:$0x2] =	wrdreg s2  }
0xaf: {  	[dreg:$0x3] =	wrdreg s24  }
0xb0: {  	[dreg:$0x4] =	wrdreg $0x9  }
0xb1: {  	_ =	task.clear_ibuf [dreg:s7], $0x5FFFF;
	_ =	strace $0x90000046  }
0xb2: {  	s29 =	simm.s32 $0x9;
	_ =	strace $0x80000048  }
0xb3: {  	_ =	swait.ge [sflag:s29], $0x1  }
0xb4: {  	[sflag:s29] =	ssyncadd.s32 $0xFFFFFFFF  }
0xb5: {  	_ =	strace $0x90000048  }
0xb6: {  	_ =	sfence  }
0xb7: {  	s30 =	sld [smem:$0x0];
	_ =	sdelay $0x2  }
0xb8: {  	s31 =	sshll.u32 s1, $0xD;
	s1 =	sshrl.u32 s1, $0x2  }
0xb9: {  	s3 =	sand.u32 $0x4000, s31;
	s1 =	sadd.s32 s1, s30  }
0xba: {  	s0 =	sor.u32 s3, s0;
	s1 =	sshll.u32 s1, $0x11  }
0xbb: {  	s0 =	sor.u32 s1, s0  }
0xbc: {  	s0 =	sadd.s32 $0x8F2B, s0  }
0xbd: {  	[sflag:s0] =	ssyncadd.remote.s32 $0x1  }
0xbe: {  	_ =	sfence.sel $0xFFFF  }
0xbf: {  	[dreg:$0x0] =	wrdreg $0xFFFFFFFF;
	(pc) =	sbr.abs _section_cstart, $3  }
0xc0: {  	[dreg:$0x1] =	wrdreg $0xFFFFFFFF  }
0xc1: {  	_ =	task.clear_ibuf [dreg:s7], $0x2FFFF;
	_ =	strace $0x9FFFFFFF  }
0xc2: {  	(tm) =	ssettm $0x7FFFFFFF  }
0xc3: {  	_ =	shalt  }
tec
execute0_lowered:
.L_overlay_start_1:
0x0: {  	(tag) =	ssettag $0x1  }
0x1: {  	s1 =	rddreg [dreg:$0x0]  }
0x2: {  	s4 =	rddreg [dreg:$0x1]  }
0x3: {  	s0 =	rddreg [dreg:$0x2];
	s5 =	srdreg.scid  }
0x4: {  	s3 =	simm.s32 $0x0;
	s2 =	stileid.u32;
	s11 =	simm.s32 $0x80  }
0x5: {  	s12 =	simm.s32 $0x880;
	s13 =	simm.s32 $0x1080;
	s14 =	simm.s32 $0x1880  }
0x6: {  	s15 =	simm.s32 $0x2080;
	s16 =	simm.s32 $0x2880;
	s17 =	simm.s32 $0x3080  }
0x7: {  	s18 =	simm.s32 $0x3880;
	s19 =	simm.s32 $0x4080;
	s20 =	simm.s32 $0x4880  }
0x8: {  	s21 =	simm.s32 $0x5080;
	s22 =	simm.s32 $0x5880;
	s23 =	simm.s32 $0x6080  }
0x9: {  	s24 =	simm.s32 $0x6880;
	s25 =	simm.s32 $0x7080;
	s26 =	simm.s32 $0x7880  }
0xa: {  	s28 =	simm.s32 $0x1;
	s5 =	sand.u32 $0x1, s5;
	[smem:$0x7FF] =	sst s3  }
0xb: {  	s6 =	sshll.u32 s2, $0x6;
	s7 =	sshll.u32 s5, $0x5;
	s5 =	ssub.s32 $0x2, s5  }
0xc: {  	_ =	strace $0x80000047;
	s6 =	sor.u32 s7, s6;
	s8 =	sshrl.u32 s5, $0x1  }
0xd: {  	s7 =	sshrl.u32 s6, $0x3;
	s6 =	sshll.u32 s6, $0x7;
	s10 =	ssub.s32 s5, s8  }
0xe: {  	v2 =	vlaneseq.u32;
	s5 =	sadd.s32 $0x100, s1;
	s7 =	sadd.s32 s7, s4;
	s9 =	sadd.s32 s6, s4  }
0xf: {  	vm0 =	vmmov $0xffff;
	v1 =	vshrl.u32 v2, $0x3;
	s6 =	sadd.s32 $0x200, s1;
	s4 =	sadd.s32 $0xE00, s7;
	s7 =	sadd.s32 $0x300, s1  }
0x10: {  	v0 =	vand.u32 $0x7, v2;
	v2 =	vor.u32 $0x8, v2;
	v1 =	vmul.u32 $0x8, v1;
	s8 =	sadd.s32 $0x1000, s9;
	s9 =	smax.u32 s10, $0x1;
	s10 =	simm.s32 $0x2  }
.LBB2_1:
0x11: {  	[tilespmem:s3], [sflag:$0x2] =	stream.linear.gather [hbm4b:s4+s3], $0x20, $0x38;
	[tilespmem:$0x8080] =	vst v63  }
0x12: {  	_ =	swait.ge [sflag:s10], $0x20  }
0x13: {  	[sflag:s10] =	ssyncset.done $0x0  }
0x14: {  	[sflag:s10] =	ssyncadd.s32 $0xFFFFFFE0  }
0x15: {  	v3 =	vld [tilespmem:$0x0];
	_ =	sdelay $0x4  }
0x16: {  	v4 =	vshll.u32 v3, $0x3  }
0x17: {  	v3 =	vand.u32 $0x7, v3;
	v4 =	vand.u32 $0xFFFFFFC0, v4  }
0x18: {  	v3 =	vor.u32 v3, v4  }
0x19: {  	v4 =	vperm.xlane v3, v0;
	_ =	sdelay $0x1  }
0x1a: {  	v4 =	vadd.s32 v1, v4;
	_ =	sdelay $0x4  }
0x1b: {  	[tilespmem:s11], [sflag:$0x1] =	stream.indirect_vreg.gather [hbm4b:s1+s3], $0x80, v4, vm0, $0xb8;
	[tilespmem:$0x8080] =	vst v63  }
0x1c: {  	v3 =	vperm.xlane v3, v2  }
0x1d: {  	[tilespmem:s12], [sflag:$0x1] =	stream.indirect_vreg.gather [hbm4b:s5+s3], $0x80, v4, vm0, $0xb8;
	[tilespmem:$0x8080] =	vst v63  }
0x1e: {  	v3 =	vadd.s32 v1, v3  }
0x1f: {  	[tilespmem:s13], [sflag:$0x1] =	stream.indirect_vreg.gather [hbm4b:s6+s3], $0x80, v4, vm0, $0xb8;
	[tilespmem:$0x8080] =	vst v63  }
0x20: {  	_ = 	snop  }
0x21: {  	[tilespmem:s14], [sflag:$0x1] =	stream.indirect_vreg.gather [hbm4b:s7+s3], $0x80, v4, vm0, $0xb8;
	[tilespmem:$0x8080] =	vst v63  }
0x22: {  	_ = 	snop  }
0x23: {  	[tilespmem:s15], [sflag:$0x1] =	stream.indirect_vreg.gather [hbm4b:s1+s3], $0x80, v3, vm0, $0xb8;
	[tilespmem:$0x8080] =	vst v63  }
0x24: {  	_ = 	snop  }
0x25: {  	[tilespmem:s16], [sflag:$0x1] =	stream.indirect_vreg.gather [hbm4b:s5+s3], $0x80, v3, vm0, $0xb8;
	[tilespmem:$0x8080] =	vst v63  }
0x26: {  	_ = 	snop  }
0x27: {  	[tilespmem:s17], [sflag:$0x1] =	stream.indirect_vreg.gather [hbm4b:s6+s3], $0x80, v3, vm0, $0xb8;
	[tilespmem:$0x8080] =	vst v63  }
0x28: {  	_ = 	snop  }
0x29: {  	[tilespmem:s18], [sflag:$0x1] =	stream.indirect_vreg.gather [hbm4b:s7+s3], $0x80, v3, vm0, $0xb8;
	[tilespmem:$0x8080] =	vst v63  }
0x2a: {  	v3 =	vld [tilespmem:$0x10];
	_ =	sdelay $0x4  }
0x2b: {  	v63 =	vshll.u32 v3, $0x3  }
0x2c: {  	v3 =	vand.u32 $0x7, v3;
	v4 =	vand.u32 $0xFFFFFFC0, v63  }
0x2d: {  	v3 =	vor.u32 v3, v4  }
0x2e: {  	v4 =	vperm.xlane v3, v0;
	_ =	sdelay $0x1  }
0x2f: {  	v4 =	vadd.s32 v1, v4;
	_ =	sdelay $0x4  }
0x30: {  	[tilespmem:s19], [sflag:$0x1] =	stream.indirect_vreg.gather [hbm4b:s1+s3], $0x80, v4, vm0, $0xb8;
	[tilespmem:$0x8080] =	vst v63  }
0x31: {  	v3 =	vperm.xlane v3, v2  }
0x32: {  	[tilespmem:s20], [sflag:$0x1] =	stream.indirect_vreg.gather [hbm4b:s5+s3], $0x80, v4, vm0, $0xb8;
	[tilespmem:$0x8080] =	vst v63  }
0x33: {  	v3 =	vadd.s32 v1, v3  }
0x34: {  	[tilespmem:s21], [sflag:$0x1] =	stream.indirect_vreg.gather [hbm4b:s6+s3], $0x80, v4, vm0, $0xb8;
	[tilespmem:$0x8080] =	vst v63  }
0x35: {  	_ = 	snop  }
0x36: {  	[tilespmem:s22], [sflag:$0x1] =	stream.indirect_vreg.gather [hbm4b:s7+s3], $0x80, v4, vm0, $0xb8;
	[tilespmem:$0x8080] =	vst v63  }
0x37: {  	_ = 	snop  }
0x38: {  	[tilespmem:s23], [sflag:$0x1] =	stream.indirect_vreg.gather [hbm4b:s1+s3], $0x80, v3, vm0, $0xb8;
	[tilespmem:$0x8080] =	vst v63  }
0x39: {  	_ = 	snop  }
0x3a: {  	[tilespmem:s24], [sflag:$0x1] =	stream.indirect_vreg.gather [hbm4b:s5+s3], $0x80, v3, vm0, $0xb8;
	[tilespmem:$0x8080] =	vst v63  }
0x3b: {  	_ = 	snop  }
0x3c: {  	[tilespmem:s25], [sflag:$0x1] =	stream.indirect_vreg.gather [hbm4b:s6+s3], $0x80, v3, vm0, $0xb8;
	[tilespmem:$0x8080] =	vst v63  }
0x3d: {  	_ = 	snop  }
0x3e: {  	[tilespmem:s26], [sflag:$0x1] =	stream.indirect_vreg.gather [hbm4b:s7+s3], $0x80, v3, vm0, $0xb8;
	[tilespmem:$0x8080] =	vst v63  }
0x3f: {  	_ =	swait.ge [sflag:s28], $0x8000  }
0x40: {  	p0 =	sne.s32 s9, $0x1;
	[sflag:s28] =	ssyncset.done $0x0  }
.Ltmp0:
0x41: {  	[sflag:s28] =	ssyncadd.s32 $0xFFFF8000;
	(pc) =	sbr.rel @p0 .LBB2_1-.Ltmp0, $4  }
0x42: {  	[hbm4b:s8+s3] =	stream.linear.scatter [tilespmem:s11], [sflag:$0x2], $0x8000, $0x38;
	[tilespmem:$0x8080] =	vst v63  }
0x43: {  	_ =	swait.ge [sflag:s10], $0x8000  }
0x44: {  	[sflag:s10] =	ssyncset.done $0x0  }
0x45: {  	s9 =	sadd.s32 $0xFFFFFFFF, s9;
	[sflag:s10] =	ssyncadd.s32 $0xFFFF8000  }
0x46: {  	_ =	sfence.sel $0x180000  }
0x47: {  	[bflag:$0x0] =	sbarrier.arrive $0xFFFF  }
0x48: {  	p0 =	sne.s32 s2, $0x0;
	_ =	strace $0x90000047  }
0x49: {  	s0 =	sadd.s32 @!p0 $0x100000, s0;
	[bflag:$0x2] =	sbarrier.arrive $0xFFFF  }
0x4a: {  	[sflag:s0] =	ssyncadd.tile.s32 @!p0 $0x1;
	_ =	shalt  }
.Lfunc_end2:
_tile_overlayer_lowered:
.L_overlay_start_2:
0x4b: {  	(tag) =	ssettag $0x2  }
0x4c: {  	s0 =	rddreg [dreg:$0x0];
	s2 =	stileid.u32  }
0x4d: {  	s1 =	rddreg [dreg:$0x1];
	p0 =	sne.s32 s2, $0x0  }
0x4e: {  	s3 =	rddreg [dreg:$0x2];
	[bflag:$0x3] =	sbarrier.arrive $0xFFFF;
	s2 =	simm.s32 @!p0 $0x1C02  }
0x4f: {  	[timem:s3], [sflag:s2] =	dma.local @!p0 [hbm:s0], s1  }
0x50: {  	s0 =	simm.s32 @!p0 $0x2  }
0x51: {  	_ =	swait.ge @!p0 [sflag:s0], s1  }
0x52: {  	s1 =	ssub.s32 @!p0 $0x0, s1;
	[sflag:s0] =	ssyncset.done @!p0 $0x0  }
0x53: {  	[sflag:s0] =	ssyncadd.s32 @!p0 s1  }
0x54: {  	[bflag:$0x3] =	sbarrier.arrive $0xFFFF  }
0x55: {  	_ =	shalt  }

</sc_bundles>
